<compile_context>
chip_gen: v7x
topology: tpu7x:2x2x1
jax: 0.10.2.dev20260603
libtpu: 0.0.44.dev20260713+nightly
codegen_flags: <defaults>
</compile_context>

<pallas_src>
import jax
import jax.numpy as jnp
from jax import lax
from jax.experimental import pallas as pl
from jax.experimental.pallas import tpu as pltpu
from jax.experimental.pallas import tpu_sc as plsc

_NUM_CLASSES = 1000
_B = 256
_RPW = 16
_VL = 16


def _tc_body(idx_ref, gamma_ref, a_ref, b_ref, od_ref):
    i = pl.program_id(0)
    g = gamma_ref[i]
    od_ref[...] = a_ref[...] * g + b_ref[...] * (1.0 - g)


def _sc_labels(lab_hbm, gam_hbm, idx_hbm, outlab_hbm,
               lab_buf, gbuf, idxbuf, laball, lbuf):
    c_id = lax.axis_index("c")
    s_id = lax.axis_index("s")
    row0 = s_id * _RPW

    @pl.when(c_id == 0)
    def _labels():
        pltpu.sync_copy(gam_hbm.at[pl.ds(row0, _RPW)], gbuf)
        pltpu.sync_copy(idx_hbm.at[pl.ds(row0, _RPW)], idxbuf)
        pltpu.sync_copy(lab_hbm, laball)
        pltpu.sync_copy(lab_hbm.at[pl.ds(row0, _RPW)], lbuf)
        iota = lax.broadcasted_iota(jnp.int32, (_VL,), 0)
        idx16 = idxbuf[...]
        gv = gbuf[...]
        l1 = lbuf[...]
        l2 = plsc.load_gather(laball, [idx16])

        zero = jnp.zeros((_VL,), jnp.float32)

        @pl.loop(0, _NUM_CLASSES // _VL)
        def _z(j):
            off = j * _VL
            for r in range(_RPW):
                lab_buf[r, pl.ds(off, _VL)] = zero

        for r in range(_RPW):
            lab_buf[r, pl.ds(_NUM_CLASSES - _VL, _VL)] = zero

        plsc.store_scatter(lab_buf, [iota, l1], gv)
        plsc.addupdate_scatter(lab_buf, [iota, l2], 1.0 - gv)
        pltpu.sync_copy(lab_buf, outlab_hbm.at[pl.ds(row0, _RPW)])


def kernel(data, labels, gamma, indices):
    b = data.shape[0]
    n = data.size // b
    lanes = 128
    rows = n // lanes
    flat = data.reshape(b, rows, lanes)

    grid_spec = pltpu.PrefetchScalarGridSpec(
        num_scalar_prefetch=2,
        grid=(b,),
        in_specs=[
            pl.BlockSpec((1, rows, lanes), lambda i, idx, gam: (i, 0, 0)),
            pl.BlockSpec((1, rows, lanes), lambda i, idx, gam: (idx[i], 0, 0)),
        ],
        out_specs=pl.BlockSpec((1, rows, lanes), lambda i, idx, gam: (i, 0, 0)),
    )
    out_data = pl.pallas_call(
        _tc_body,
        grid_spec=grid_spec,
        out_shape=jax.ShapeDtypeStruct((b, rows, lanes), jnp.float32),
    )(indices, gamma, flat, flat)

    sc_call = pl.kernel(
        _sc_labels,
        out_type=jax.ShapeDtypeStruct((_B, _NUM_CLASSES), jnp.float32),
        mesh=plsc.VectorSubcoreMesh(
            core_axis_name="c", subcore_axis_name="s",
            num_cores=2, num_subcores=16,
        ),
        compiler_params=pltpu.CompilerParams(needs_layout_passes=False),
        scratch_types=[
            pltpu.VMEM((_RPW, _NUM_CLASSES), jnp.float32),
            pltpu.VMEM((_RPW,), jnp.float32),
            pltpu.VMEM((_RPW,), jnp.int32),
            pltpu.VMEM((_B,), jnp.int32),
            pltpu.VMEM((_RPW,), jnp.int32),
        ],
    )
    out_labels = sc_call(labels, gamma, indices)
    return out_data.reshape(data.shape), out_labels

# --- scband reference (transcript-rebuilt; emitter-appended) ---
"""Pipeline reference for scband-mixup-66924180407344 (READ-ONLY COPY).

The authoritative reference and input builder live on the scoring server;
editing this copy changes nothing except your own understanding.
"""

import jax, jax.numpy as jnp
import numpy as np

ALPHA = 0.2
NUM_CLASSES = 1000
BATCH = 256


def setup_inputs(seed: int = 0) -> dict:
    key = jax.random.key(seed)
    k1, k2, k3, k4 = jax.random.split(key, 4)
    data = jax.random.normal(k1, (BATCH, 3, 224, 224), dtype=jnp.float32)
    labels = jax.random.randint(k2, (BATCH,), 0, NUM_CLASSES, dtype=jnp.int32)
    # gamma ~ Uniform(alpha, 1) and a random permutation, sampled deterministically
    # (these are drawn inside forward() in the torch module; fixed keys here for reproducibility)
    gamma = jax.random.uniform(k3, (BATCH,), minval=ALPHA, maxval=1.0, dtype=jnp.float32)
    indices = jax.random.permutation(k4, BATCH).astype(jnp.int32)
    return {"data": data, "labels": labels, "gamma": gamma, "indices": indices}


def _mix(data, gamma, indices):
    gamma_ = gamma.reshape((gamma.shape[0],) + (1,) * (data.ndim - 1))
    return data * gamma_ + (1.0 - gamma_) * jnp.take(data, indices, axis=0)


def reference(data, labels, gamma, indices):
    if labels.ndim <= 1:
        one_hot_labels = jax.nn.one_hot(labels, NUM_CLASSES, dtype=jnp.float32)
    else:
        one_hot_labels = labels.astype(jnp.float32)
    mixedup_data = _mix(data, gamma, indices)
    mixedup_labels = _mix(one_hot_labels, gamma, indices)
    return (mixedup_data, mixedup_labels)

if __name__ == "__main__":
    import jax
    _d = setup_inputs()
    print(jax.jit(kernel)(*tuple(_d.values())))

</pallas_src>

<mosaic_0001>
#map = affine_map<(d0, d1) -> (0)>
#map1 = affine_map<(d0, d1) -> (0, 0)>
module attributes {stable_mosaic.version = 14 : i64} {
  func.func @_sc_labels(%arg0: i32, %arg1: i32, %arg2: memref<256xi32, #tpu.memory_space<hbm>>, %arg3: memref<256xf32, #tpu.memory_space<hbm>>, %arg4: memref<256xi32, #tpu.memory_space<hbm>>, %arg5: memref<256x1000xf32, #tpu.memory_space<hbm>>, %arg6: memref<16x1000xf32, #tpu.memory_space<vmem>>, %arg7: memref<16xf32, #tpu.memory_space<vmem>>, %arg8: memref<16xi32, #tpu.memory_space<vmem>>, %arg9: memref<256xi32, #tpu.memory_space<vmem>>, %arg10: memref<16xi32, #tpu.memory_space<vmem>>) attributes {dimension_semantics = [#tpu.dimension_semantics<core_parallel>, #tpu.dimension_semantics<subcore_parallel>], iteration_bounds = array<i64: 2, 16>, scalar_prefetch = 0 : i64, scratch_operands = 5 : i64, tpu.core_type = #tpu.core_type<sc_vector_subcore>, window_params = [{transform_indices = #map}, {transform_indices = #map}, {transform_indices = #map}, {transform_indices = #map1}]} {
    %mul3A = arith.constant 16 : i32
    %mul3A_0 = arith.muli %arg1, %mul3A : i32
    %eq3A = arith.constant 0 : i32
    %eq3A_1 = arith.cmpi eq, %arg0, %eq3A : i32
    %convert_element_type3A = arith.extui %eq3A_1 : i1 to i32
    %cond3A = arith.constant 0 : i32
    %cond3A_2 = arith.cmpi ne, %convert_element_type3A, %cond3A : i32
    scf.if %cond3A_2 {
      "tpu.region"() ({
        %run_scoped3A = tpu.sem_alloc : memref<!tpu.dma_semaphore, #tpu.memory_space<semaphore_mem>>
        %dma_start3A = tpu.memref_slice %arg3[%mul3A_0] : memref<256xf32, #tpu.memory_space<hbm>> -> memref<16xf32, #tpu.memory_space<hbm>>
        %dma_start3A_78 = tpu.memref_slice %arg3[%mul3A_0] : memref<256xf32, #tpu.memory_space<hbm>> -> memref<16xf32, #tpu.memory_space<hbm>>
        tpu.enqueue_dma source(%dma_start3A_78 : memref<16xf32, #tpu.memory_space<hbm>>) target(%arg7 : memref<16xf32, #tpu.memory_space<vmem>>) target_semaphore(%run_scoped3A : memref<!tpu.dma_semaphore, #tpu.memory_space<semaphore_mem>>)
        %dma_wait3A = tpu.memref_slice %arg3[%mul3A_0] : memref<256xf32, #tpu.memory_space<hbm>> -> memref<16xf32, #tpu.memory_space<hbm>>
        %dma_wait3A_79 = tpu.memref_slice %arg3[%mul3A_0] : memref<256xf32, #tpu.memory_space<hbm>> -> memref<16xf32, #tpu.memory_space<hbm>>
        tpu.wait_dma2 semaphore(%run_scoped3A : memref<!tpu.dma_semaphore, #tpu.memory_space<semaphore_mem>>) src(%dma_wait3A_79 : memref<16xf32, #tpu.memory_space<hbm>>) dst(%arg7 : memref<16xf32, #tpu.memory_space<vmem>>)
        tpu.yield
      }) : () -> ()
      "tpu.region"() ({
        %run_scoped3A = tpu.sem_alloc : memref<!tpu.dma_semaphore, #tpu.memory_space<semaphore_mem>>
        %dma_start3A = tpu.memref_slice %arg4[%mul3A_0] : memref<256xi32, #tpu.memory_space<hbm>> -> memref<16xi32, #tpu.memory_space<hbm>>
        %dma_start3A_78 = tpu.memref_slice %arg4[%mul3A_0] : memref<256xi32, #tpu.memory_space<hbm>> -> memref<16xi32, #tpu.memory_space<hbm>>
        tpu.enqueue_dma source(%dma_start3A_78 : memref<16xi32, #tpu.memory_space<hbm>>) target(%arg8 : memref<16xi32, #tpu.memory_space<vmem>>) target_semaphore(%run_scoped3A : memref<!tpu.dma_semaphore, #tpu.memory_space<semaphore_mem>>)
        %dma_wait3A = tpu.memref_slice %arg4[%mul3A_0] : memref<256xi32, #tpu.memory_space<hbm>> -> memref<16xi32, #tpu.memory_space<hbm>>
        %dma_wait3A_79 = tpu.memref_slice %arg4[%mul3A_0] : memref<256xi32, #tpu.memory_space<hbm>> -> memref<16xi32, #tpu.memory_space<hbm>>
        tpu.wait_dma2 semaphore(%run_scoped3A : memref<!tpu.dma_semaphore, #tpu.memory_space<semaphore_mem>>) src(%dma_wait3A_79 : memref<16xi32, #tpu.memory_space<hbm>>) dst(%arg8 : memref<16xi32, #tpu.memory_space<vmem>>)
        tpu.yield
      }) : () -> ()
      "tpu.region"() ({
        %run_scoped3A = tpu.sem_alloc : memref<!tpu.dma_semaphore, #tpu.memory_space<semaphore_mem>>
        tpu.enqueue_dma source(%arg2 : memref<256xi32, #tpu.memory_space<hbm>>) target(%arg9 : memref<256xi32, #tpu.memory_space<vmem>>) target_semaphore(%run_scoped3A : memref<!tpu.dma_semaphore, #tpu.memory_space<semaphore_mem>>)
        tpu.wait_dma2 semaphore(%run_scoped3A : memref<!tpu.dma_semaphore, #tpu.memory_space<semaphore_mem>>) src(%arg2 : memref<256xi32, #tpu.memory_space<hbm>>) dst(%arg9 : memref<256xi32, #tpu.memory_space<vmem>>)
        tpu.yield
      }) : () -> ()
      "tpu.region"() ({
        %run_scoped3A = tpu.sem_alloc : memref<!tpu.dma_semaphore, #tpu.memory_space<semaphore_mem>>
        %dma_start3A = tpu.memref_slice %arg2[%mul3A_0] : memref<256xi32, #tpu.memory_space<hbm>> -> memref<16xi32, #tpu.memory_space<hbm>>
        %dma_start3A_78 = tpu.memref_slice %arg2[%mul3A_0] : memref<256xi32, #tpu.memory_space<hbm>> -> memref<16xi32, #tpu.memory_space<hbm>>
        tpu.enqueue_dma source(%dma_start3A_78 : memref<16xi32, #tpu.memory_space<hbm>>) target(%arg10 : memref<16xi32, #tpu.memory_space<vmem>>) target_semaphore(%run_scoped3A : memref<!tpu.dma_semaphore, #tpu.memory_space<semaphore_mem>>)
        %dma_wait3A = tpu.memref_slice %arg2[%mul3A_0] : memref<256xi32, #tpu.memory_space<hbm>> -> memref<16xi32, #tpu.memory_space<hbm>>
        %dma_wait3A_79 = tpu.memref_slice %arg2[%mul3A_0] : memref<256xi32, #tpu.memory_space<hbm>> -> memref<16xi32, #tpu.memory_space<hbm>>
        tpu.wait_dma2 semaphore(%run_scoped3A : memref<!tpu.dma_semaphore, #tpu.memory_space<semaphore_mem>>) src(%dma_wait3A_79 : memref<16xi32, #tpu.memory_space<hbm>>) dst(%arg10 : memref<16xi32, #tpu.memory_space<vmem>>)
        tpu.yield
      }) : () -> ()
      %iota3A = tpu.iota {dimensions = array<i32: 0>} : vector<16xi32>
      %get3A = arith.constant 0 : index
      %get3A_3 = tpu.vector_load %arg8[%get3A] {strides = array<i32>} : memref<16xi32, #tpu.memory_space<vmem>>, vector<16xi32>,
      %get3A_4 = arith.constant 0 : index
      %get3A_5 = tpu.vector_load %arg7[%get3A_4] {strides = array<i32>} : memref<16xf32, #tpu.memory_space<vmem>>, vector<16xf32>,
      %get3A_6 = arith.constant 0 : index
      %get3A_7 = tpu.vector_load %arg10[%get3A_6] {strides = array<i32>} : memref<16xi32, #tpu.memory_space<vmem>>, vector<16xi32>,
      %gather3A = tpu.vector_load_idx %arg9[%get3A_3] : memref<256xi32, #tpu.memory_space<vmem>>[vector<16xi32>], vector<16xi32>,
      %broadcast_in_dim3A = arith.constant 0.000000e+00 : f32
      %broadcast_in_dim3A_8 = vector.broadcast %broadcast_in_dim3A : f32 to vector<16xf32>
      %scan3A = arith.constant 0 : i32
      %scan3A_9 = arith.constant 62 : i32
      %scan3A_10 = arith.addi %scan3A, %scan3A_9 : i32
      %scan3A_11 = arith.constant 1 : i32
      scf.for %scan3A_78 = %scan3A to %scan3A_10 step %scan3A_11  : i32 {
        %mul3A_79 = arith.constant 1 : i32
        %mul3A_80 = arith.muli %scan3A_78, %mul3A_79 : i32
        %add3A = arith.constant 0 : i32
        %add3A_81 = arith.addi %add3A, %mul3A_80 : i32
        %mul3A_82 = arith.constant 16 : i32
        %mul3A_83 = arith.muli %add3A_81, %mul3A_82 : i32
        %swap3A_84 = arith.constant 0 : i32
        %swap3A_85 = arith.index_cast %swap3A_84 : i32 to index
        %swap3A_86 = arith.index_cast %mul3A_83 : i32 to index
        %swap3A_87 = tpu.vector_load %arg6[%swap3A_85, %swap3A_86] {strides = array<i32>} : memref<16x1000xf32, #tpu.memory_space<vmem>>, vector<16xf32>,
        tpu.vector_store %arg6[%swap3A_85, %swap3A_86], %broadcast_in_dim3A_8 {strides = array<i32>} : memref<16x1000xf32, #tpu.memory_space<vmem>>, vector<16xf32>,
        %swap3A_88 = arith.constant 1 : i32
        %swap3A_89 = arith.index_cast %swap3A_88 : i32 to index
        %swap3A_90 = arith.index_cast %mul3A_83 : i32 to index
        %swap3A_91 = tpu.vector_load %arg6[%swap3A_89, %swap3A_90] {strides = array<i32>} : memref<16x1000xf32, #tpu.memory_space<vmem>>, vector<16xf32>,
        tpu.vector_store %arg6[%swap3A_89, %swap3A_90], %broadcast_in_dim3A_8 {strides = array<i32>} : memref<16x1000xf32, #tpu.memory_space<vmem>>, vector<16xf32>,
        %swap3A_92 = arith.constant 2 : i32
        %swap3A_93 = arith.index_cast %swap3A_92 : i32 to index
        %swap3A_94 = arith.index_cast %mul3A_83 : i32 to index
        %swap3A_95 = tpu.vector_load %arg6[%swap3A_93, %swap3A_94] {strides = array<i32>} : memref<16x1000xf32, #tpu.memory_space<vmem>>, vector<16xf32>,
        tpu.vector_store %arg6[%swap3A_93, %swap3A_94], %broadcast_in_dim3A_8 {strides = array<i32>} : memref<16x1000xf32, #tpu.memory_space<vmem>>, vector<16xf32>,
        %swap3A_96 = arith.constant 3 : i32
        %swap3A_97 = arith.index_cast %swap3A_96 : i32 to index
        %swap3A_98 = arith.index_cast %mul3A_83 : i32 to index
        %swap3A_99 = tpu.vector_load %arg6[%swap3A_97, %swap3A_98] {strides = array<i32>} : memref<16x1000xf32, #tpu.memory_space<vmem>>, vector<16xf32>,
        tpu.vector_store %arg6[%swap3A_97, %swap3A_98], %broadcast_in_dim3A_8 {strides = array<i32>} : memref<16x1000xf32, #tpu.memory_space<vmem>>, vector<16xf32>,
        %swap3A_100 = arith.constant 4 : i32
        %swap3A_101 = arith.index_cast %swap3A_100 : i32 to index
        %swap3A_102 = arith.index_cast %mul3A_83 : i32 to index
        %swap3A_103 = tpu.vector_load %arg6[%swap3A_101, %swap3A_102] {strides = array<i32>} : memref<16x1000xf32, #tpu.memory_space<vmem>>, vector<16xf32>,
        tpu.vector_store %arg6[%swap3A_101, %swap3A_102], %broadcast_in_dim3A_8 {strides = array<i32>} : memref<16x1000xf32, #tpu.memory_space<vmem>>, vector<16xf32>,
        %swap3A_104 = arith.constant 5 : i32
        %swap3A_105 = arith.index_cast %swap3A_104 : i32 to index
        %swap3A_106 = arith.index_cast %mul3A_83 : i32 to index
        %swap3A_107 = tpu.vector_load %arg6[%swap3A_105, %swap3A_106] {strides = array<i32>} : memref<16x1000xf32, #tpu.memory_space<vmem>>, vector<16xf32>,
        tpu.vector_store %arg6[%swap3A_105, %swap3A_106], %broadcast_in_dim3A_8 {strides = array<i32>} : memref<16x1000xf32, #tpu.memory_space<vmem>>, vector<16xf32>,
        %swap3A_108 = arith.constant 6 : i32
        %swap3A_109 = arith.index_cast %swap3A_108 : i32 to index
        %swap3A_110 = arith.index_cast %mul3A_83 : i32 to index
        %swap3A_111 = tpu.vector_load %arg6[%swap3A_109, %swap3A_110] {strides = array<i32>} : memref<16x1000xf32, #tpu.memory_space<vmem>>, vector<16xf32>,
        tpu.vector_store %arg6[%swap3A_109, %swap3A_110], %broadcast_in_dim3A_8 {strides = array<i32>} : memref<16x1000xf32, #tpu.memory_space<vmem>>, vector<16xf32>,
        %swap3A_112 = arith.constant 7 : i32
        %swap3A_113 = arith.index_cast %swap3A_112 : i32 to index
        %swap3A_114 = arith.index_cast %mul3A_83 : i32 to index
        %swap3A_115 = tpu.vector_load %arg6[%swap3A_113, %swap3A_114] {strides = array<i32>} : memref<16x1000xf32, #tpu.memory_space<vmem>>, vector<16xf32>,
        tpu.vector_store %arg6[%swap3A_113, %swap3A_114], %broadcast_in_dim3A_8 {strides = array<i32>} : memref<16x1000xf32, #tpu.memory_space<vmem>>, vector<16xf32>,
        %swap3A_116 = arith.constant 8 : i32
        %swap3A_117 = arith.index_cast %swap3A_116 : i32 to index
        %swap3A_118 = arith.index_cast %mul3A_83 : i32 to index
        %swap3A_119 = tpu.vector_load %arg6[%swap3A_117, %swap3A_118] {strides = array<i32>} : memref<16x1000xf32, #tpu.memory_space<vmem>>, vector<16xf32>,
        tpu.vector_store %arg6[%swap3A_117, %swap3A_118], %broadcast_in_dim3A_8 {strides = array<i32>} : memref<16x1000xf32, #tpu.memory_space<vmem>>, vector<16xf32>,
        %swap3A_120 = arith.constant 9 : i32
        %swap3A_121 = arith.index_cast %swap3A_120 : i32 to index
        %swap3A_122 = arith.index_cast %mul3A_83 : i32 to index
        %swap3A_123 = tpu.vector_load %arg6[%swap3A_121, %swap3A_122] {strides = array<i32>} : memref<16x1000xf32, #tpu.memory_space<vmem>>, vector<16xf32>,
        tpu.vector_store %arg6[%swap3A_121, %swap3A_122], %broadcast_in_dim3A_8 {strides = array<i32>} : memref<16x1000xf32, #tpu.memory_space<vmem>>, vector<16xf32>,
        %swap3A_124 = arith.constant 10 : i32
        %swap3A_125 = arith.index_cast %swap3A_124 : i32 to index
        %swap3A_126 = arith.index_cast %mul3A_83 : i32 to index
        %swap3A_127 = tpu.vector_load %arg6[%swap3A_125, %swap3A_126] {strides = array<i32>} : memref<16x1000xf32, #tpu.memory_space<vmem>>, vector<16xf32>,
        tpu.vector_store %arg6[%swap3A_125, %swap3A_126], %broadcast_in_dim3A_8 {strides = array<i32>} : memref<16x1000xf32, #tpu.memory_space<vmem>>, vector<16xf32>,
        %swap3A_128 = arith.constant 11 : i32
        %swap3A_129 = arith.index_cast %swap3A_128 : i32 to index
        %swap3A_130 = arith.index_cast %mul3A_83 : i32 to index
        %swap3A_131 = tpu.vector_load %arg6[%swap3A_129, %swap3A_130] {strides = array<i32>} : memref<16x1000xf32, #tpu.memory_space<vmem>>, vector<16xf32>,
        tpu.vector_store %arg6[%swap3A_129, %swap3A_130], %broadcast_in_dim3A_8 {strides = array<i32>} : memref<16x1000xf32, #tpu.memory_space<vmem>>, vector<16xf32>,
        %swap3A_132 = arith.constant 12 : i32
        %swap3A_133 = arith.index_cast %swap3A_132 : i32 to index
        %swap3A_134 = arith.index_cast %mul3A_83 : i32 to index
        %swap3A_135 = tpu.vector_load %arg6[%swap3A_133, %swap3A_134] {strides = array<i32>} : memref<16x1000xf32, #tpu.memory_space<vmem>>, vector<16xf32>,
        tpu.vector_store %arg6[%swap3A_133, %swap3A_134], %broadcast_in_dim3A_8 {strides = array<i32>} : memref<16x1000xf32, #tpu.memory_space<vmem>>, vector<16xf32>,
        %swap3A_136 = arith.constant 13 : i32
        %swap3A_137 = arith.index_cast %swap3A_136 : i32 to index
        %swap3A_138 = arith.index_cast %mul3A_83 : i32 to index
        %swap3A_139 = tpu.vector_load %arg6[%swap3A_137, %swap3A_138] {strides = array<i32>} : memref<16x1000xf32, #tpu.memory_space<vmem>>, vector<16xf32>,
        tpu.vector_store %arg6[%swap3A_137, %swap3A_138], %broadcast_in_dim3A_8 {strides = array<i32>} : memref<16x1000xf32, #tpu.memory_space<vmem>>, vector<16xf32>,
        %swap3A_140 = arith.constant 14 : i32
        %swap3A_141 = arith.index_cast %swap3A_140 : i32 to index
        %swap3A_142 = arith.index_cast %mul3A_83 : i32 to index
        %swap3A_143 = tpu.vector_load %arg6[%swap3A_141, %swap3A_142] {strides = array<i32>} : memref<16x1000xf32, #tpu.memory_space<vmem>>, vector<16xf32>,
        tpu.vector_store %arg6[%swap3A_141, %swap3A_142], %broadcast_in_dim3A_8 {strides = array<i32>} : memref<16x1000xf32, #tpu.memory_space<vmem>>, vector<16xf32>,
        %swap3A_144 = arith.constant 15 : i32
        %swap3A_145 = arith.index_cast %swap3A_144 : i32 to index
        %swap3A_146 = arith.index_cast %mul3A_83 : i32 to index
        %swap3A_147 = tpu.vector_load %arg6[%swap3A_145, %swap3A_146] {strides = array<i32>} : memref<16x1000xf32, #tpu.memory_space<vmem>>, vector<16xf32>,
        tpu.vector_store %arg6[%swap3A_145, %swap3A_146], %broadcast_in_dim3A_8 {strides = array<i32>} : memref<16x1000xf32, #tpu.memory_space<vmem>>, vector<16xf32>,
      }
      %scan3A_12 = arith.constant 62 : i32
      %swap3A = arith.constant 0 : i32
      %swap3A_13 = arith.index_cast %swap3A : i32 to index
      %swap3A_14 = arith.constant 984 : index
      %swap3A_15 = tpu.vector_load %arg6[%swap3A_13, %swap3A_14] {strides = array<i32>} : memref<16x1000xf32, #tpu.memory_space<vmem>>, vector<16xf32>,
      tpu.vector_store %arg6[%swap3A_13, %swap3A_14], %broadcast_in_dim3A_8 {strides = array<i32>} : memref<16x1000xf32, #tpu.memory_space<vmem>>, vector<16xf32>,
      %swap3A_16 = arith.constant 1 : i32
      %swap3A_17 = arith.index_cast %swap3A_16 : i32 to index
      %swap3A_18 = arith.constant 984 : index
      %swap3A_19 = tpu.vector_load %arg6[%swap3A_17, %swap3A_18] {strides = array<i32>} : memref<16x1000xf32, #tpu.memory_space<vmem>>, vector<16xf32>,
      tpu.vector_store %arg6[%swap3A_17, %swap3A_18], %broadcast_in_dim3A_8 {strides = array<i32>} : memref<16x1000xf32, #tpu.memory_space<vmem>>, vector<16xf32>,
      %swap3A_20 = arith.constant 2 : i32
      %swap3A_21 = arith.index_cast %swap3A_20 : i32 to index
      %swap3A_22 = arith.constant 984 : index
      %swap3A_23 = tpu.vector_load %arg6[%swap3A_21, %swap3A_22] {strides = array<i32>} : memref<16x1000xf32, #tpu.memory_space<vmem>>, vector<16xf32>,
      tpu.vector_store %arg6[%swap3A_21, %swap3A_22], %broadcast_in_dim3A_8 {strides = array<i32>} : memref<16x1000xf32, #tpu.memory_space<vmem>>, vector<16xf32>,
      %swap3A_24 = arith.constant 3 : i32
      %swap3A_25 = arith.index_cast %swap3A_24 : i32 to index
      %swap3A_26 = arith.constant 984 : index
      %swap3A_27 = tpu.vector_load %arg6[%swap3A_25, %swap3A_26] {strides = array<i32>} : memref<16x1000xf32, #tpu.memory_space<vmem>>, vector<16xf32>,
      tpu.vector_store %arg6[%swap3A_25, %swap3A_26], %broadcast_in_dim3A_8 {strides = array<i32>} : memref<16x1000xf32, #tpu.memory_space<vmem>>, vector<16xf32>,
      %swap3A_28 = arith.constant 4 : i32
      %swap3A_29 = arith.index_cast %swap3A_28 : i32 to index
      %swap3A_30 = arith.constant 984 : index
      %swap3A_31 = tpu.vector_load %arg6[%swap3A_29, %swap3A_30] {strides = array<i32>} : memref<16x1000xf32, #tpu.memory_space<vmem>>, vector<16xf32>,
      tpu.vector_store %arg6[%swap3A_29, %swap3A_30], %broadcast_in_dim3A_8 {strides = array<i32>} : memref<16x1000xf32, #tpu.memory_space<vmem>>, vector<16xf32>,
      %swap3A_32 = arith.constant 5 : i32
      %swap3A_33 = arith.index_cast %swap3A_32 : i32 to index
      %swap3A_34 = arith.constant 984 : index
      %swap3A_35 = tpu.vector_load %arg6[%swap3A_33, %swap3A_34] {strides = array<i32>} : memref<16x1000xf32, #tpu.memory_space<vmem>>, vector<16xf32>,
      tpu.vector_store %arg6[%swap3A_33, %swap3A_34], %broadcast_in_dim3A_8 {strides = array<i32>} : memref<16x1000xf32, #tpu.memory_space<vmem>>, vector<16xf32>,
      %swap3A_36 = arith.constant 6 : i32
      %swap3A_37 = arith.index_cast %swap3A_36 : i32 to index
      %swap3A_38 = arith.constant 984 : index
      %swap3A_39 = tpu.vector_load %arg6[%swap3A_37, %swap3A_38] {strides = array<i32>} : memref<16x1000xf32, #tpu.memory_space<vmem>>, vector<16xf32>,
      tpu.vector_store %arg6[%swap3A_37, %swap3A_38], %broadcast_in_dim3A_8 {strides = array<i32>} : memref<16x1000xf32, #tpu.memory_space<vmem>>, vector<16xf32>,
      %swap3A_40 = arith.constant 7 : i32
      %swap3A_41 = arith.index_cast %swap3A_40 : i32 to index
      %swap3A_42 = arith.constant 984 : index
      %swap3A_43 = tpu.vector_load %arg6[%swap3A_41, %swap3A_42] {strides = array<i32>} : memref<16x1000xf32, #tpu.memory_space<vmem>>, vector<16xf32>,
      tpu.vector_store %arg6[%swap3A_41, %swap3A_42], %broadcast_in_dim3A_8 {strides = array<i32>} : memref<16x1000xf32, #tpu.memory_space<vmem>>, vector<16xf32>,
      %swap3A_44 = arith.constant 8 : i32
      %swap3A_45 = arith.index_cast %swap3A_44 : i32 to index
      %swap3A_46 = arith.constant 984 : index
      %swap3A_47 = tpu.vector_load %arg6[%swap3A_45, %swap3A_46] {strides = array<i32>} : memref<16x1000xf32, #tpu.memory_space<vmem>>, vector<16xf32>,
      tpu.vector_store %arg6[%swap3A_45, %swap3A_46], %broadcast_in_dim3A_8 {strides = array<i32>} : memref<16x1000xf32, #tpu.memory_space<vmem>>, vector<16xf32>,
      %swap3A_48 = arith.constant 9 : i32
      %swap3A_49 = arith.index_cast %swap3A_48 : i32 to index
      %swap3A_50 = arith.constant 984 : index
      %swap3A_51 = tpu.vector_load %arg6[%swap3A_49, %swap3A_50] {strides = array<i32>} : memref<16x1000xf32, #tpu.memory_space<vmem>>, vector<16xf32>,
      tpu.vector_store %arg6[%swap3A_49, %swap3A_50], %broadcast_in_dim3A_8 {strides = array<i32>} : memref<16x1000xf32, #tpu.memory_space<vmem>>, vector<16xf32>,
      %swap3A_52 = arith.constant 10 : i32
      %swap3A_53 = arith.index_cast %swap3A_52 : i32 to index
      %swap3A_54 = arith.constant 984 : index
      %swap3A_55 = tpu.vector_load %arg6[%swap3A_53, %swap3A_54] {strides = array<i32>} : memref<16x1000xf32, #tpu.memory_space<vmem>>, vector<16xf32>,
      tpu.vector_store %arg6[%swap3A_53, %swap3A_54], %broadcast_in_dim3A_8 {strides = array<i32>} : memref<16x1000xf32, #tpu.memory_space<vmem>>, vector<16xf32>,
      %swap3A_56 = arith.constant 11 : i32
      %swap3A_57 = arith.index_cast %swap3A_56 : i32 to index
      %swap3A_58 = arith.constant 984 : index
      %swap3A_59 = tpu.vector_load %arg6[%swap3A_57, %swap3A_58] {strides = array<i32>} : memref<16x1000xf32, #tpu.memory_space<vmem>>, vector<16xf32>,
      tpu.vector_store %arg6[%swap3A_57, %swap3A_58], %broadcast_in_dim3A_8 {strides = array<i32>} : memref<16x1000xf32, #tpu.memory_space<vmem>>, vector<16xf32>,
      %swap3A_60 = arith.constant 12 : i32
      %swap3A_61 = arith.index_cast %swap3A_60 : i32 to index
      %swap3A_62 = arith.constant 984 : index
      %swap3A_63 = tpu.vector_load %arg6[%swap3A_61, %swap3A_62] {strides = array<i32>} : memref<16x1000xf32, #tpu.memory_space<vmem>>, vector<16xf32>,
      tpu.vector_store %arg6[%swap3A_61, %swap3A_62], %broadcast_in_dim3A_8 {strides = array<i32>} : memref<16x1000xf32, #tpu.memory_space<vmem>>, vector<16xf32>,
      %swap3A_64 = arith.constant 13 : i32
      %swap3A_65 = arith.index_cast %swap3A_64 : i32 to index
      %swap3A_66 = arith.constant 984 : index
      %swap3A_67 = tpu.vector_load %arg6[%swap3A_65, %swap3A_66] {strides = array<i32>} : memref<16x1000xf32, #tpu.memory_space<vmem>>, vector<16xf32>,
      tpu.vector_store %arg6[%swap3A_65, %swap3A_66], %broadcast_in_dim3A_8 {strides = array<i32>} : memref<16x1000xf32, #tpu.memory_space<vmem>>, vector<16xf32>,
      %swap3A_68 = arith.constant 14 : i32
      %swap3A_69 = arith.index_cast %swap3A_68 : i32 to index
      %swap3A_70 = arith.constant 984 : index
      %swap3A_71 = tpu.vector_load %arg6[%swap3A_69, %swap3A_70] {strides = array<i32>} : memref<16x1000xf32, #tpu.memory_space<vmem>>, vector<16xf32>,
      tpu.vector_store %arg6[%swap3A_69, %swap3A_70], %broadcast_in_dim3A_8 {strides = array<i32>} : memref<16x1000xf32, #tpu.memory_space<vmem>>, vector<16xf32>,
      %swap3A_72 = arith.constant 15 : i32
      %swap3A_73 = arith.index_cast %swap3A_72 : i32 to index
      %swap3A_74 = arith.constant 984 : index
      %swap3A_75 = tpu.vector_load %arg6[%swap3A_73, %swap3A_74] {strides = array<i32>} : memref<16x1000xf32, #tpu.memory_space<vmem>>, vector<16xf32>,
      tpu.vector_store %arg6[%swap3A_73, %swap3A_74], %broadcast_in_dim3A_8 {strides = array<i32>} : memref<16x1000xf32, #tpu.memory_space<vmem>>, vector<16xf32>,
      tpu.vector_store_idx %arg6[%iota3A, %get3A_7], %get3A_5 : memref<16x1000xf32, #tpu.memory_space<vmem>>[vector<16xi32>, vector<16xi32>], vector<16xf32>,
      %sub3A = arith.constant 1.000000e+00 : f32
      %sub3A_76 = vector.broadcast %sub3A : f32 to vector<16xf32>
      %sub3A_77 = arith.subf %sub3A_76, %get3A_5 : vector<16xf32>
      tpu.vector_store_idx %arg6[%iota3A, %gather3A], %sub3A_77 {add = true} : memref<16x1000xf32, #tpu.memory_space<vmem>>[vector<16xi32>, vector<16xi32>], vector<16xf32>,
      "tpu.region"() ({
        %run_scoped3A = tpu.sem_alloc : memref<!tpu.dma_semaphore, #tpu.memory_space<semaphore_mem>>
        %dma_start3A = arith.constant 0 : i32
        %dma_start3A_78 = tpu.memref_slice %arg5[%mul3A_0, %dma_start3A] : memref<256x1000xf32, #tpu.memory_space<hbm>> -> memref<16x1000xf32, #tpu.memory_space<hbm>>
        %dma_start3A_79 = arith.constant 0 : i32
        %dma_start3A_80 = tpu.memref_slice %arg5[%mul3A_0, %dma_start3A_79] : memref<256x1000xf32, #tpu.memory_space<hbm>> -> memref<16x1000xf32, #tpu.memory_space<hbm>>
        tpu.enqueue_dma source(%arg6 : memref<16x1000xf32, #tpu.memory_space<vmem>>) target(%dma_start3A_80 : memref<16x1000xf32, #tpu.memory_space<hbm>>) target_semaphore(%run_scoped3A : memref<!tpu.dma_semaphore, #tpu.memory_space<semaphore_mem>>)
        %dma_wait3A = arith.constant 0 : i32
        %dma_wait3A_81 = tpu.memref_slice %arg5[%mul3A_0, %dma_wait3A] : memref<256x1000xf32, #tpu.memory_space<hbm>> -> memref<16x1000xf32, #tpu.memory_space<hbm>>
        %dma_wait3A_82 = arith.constant 0 : i32
        %dma_wait3A_83 = tpu.memref_slice %arg5[%mul3A_0, %dma_wait3A_82] : memref<256x1000xf32, #tpu.memory_space<hbm>> -> memref<16x1000xf32, #tpu.memory_space<hbm>>
        tpu.wait_dma2 semaphore(%run_scoped3A : memref<!tpu.dma_semaphore, #tpu.memory_space<semaphore_mem>>) src(%arg6 : memref<16x1000xf32, #tpu.memory_space<vmem>>) dst(%dma_wait3A_83 : memref<16x1000xf32, #tpu.memory_space<hbm>>)
        tpu.yield
      }) : () -> ()
    } else {
    }
    return
  }
}

module attributes {stable_mosaic.version = 14 : i64} {
  func.func @_tc_body(%arg0: i32, %arg1: memref<256xi32, #tpu.memory_space<smem>>, %arg2: memref<256xf32, #tpu.memory_space<smem>>, %arg3: memref<1x1176x128xf32, #tpu.memory_space<vmem>>, %arg4: memref<1x1176x128xf32, #tpu.memory_space<vmem>>, %arg5: memref<1x1176x128xf32, #tpu.memory_space<vmem>>) attributes {dimension_semantics = [#tpu.dimension_semantics<arbitrary>], iteration_bounds = array<i64: 256>, scalar_prefetch = 2 : i64, scratch_operands = 0 : i64, tpu.core_type = #tpu.core_type<tc>, window_params = [{transform_indices = @transform_0, window_bounds = array<i64: 1, 1176, 128>}, {transform_indices = @transform_1, window_bounds = array<i64: 1, 1176, 128>}, {transform_indices = @transform_2, window_bounds = array<i64: 1, 1176, 128>}]} {
    %get3A = arith.index_cast %arg0 : i32 to index
    %get3A_0 = memref.load %arg2[%get3A] : memref<256xf32, #tpu.memory_space<smem>>
    %get3A_1 = arith.constant 0 : index
    %get3A_2 = arith.constant 0 : index
    %get3A_3 = arith.constant 0 : index
    %get3A_4 = vector.load %arg3[%get3A_1, %get3A_2, %get3A_3] : memref<1x1176x128xf32, #tpu.memory_space<vmem>>, vector<1x1176x128xf32>
    %mul3A = vector.broadcast %get3A_0 : f32 to vector<1x1176x128xf32>
    %mul3A_5 = arith.mulf %get3A_4, %mul3A : vector<1x1176x128xf32>
    %get3A_6 = arith.constant 0 : index
    %get3A_7 = arith.constant 0 : index
    %get3A_8 = arith.constant 0 : index
    %get3A_9 = vector.load %arg4[%get3A_6, %get3A_7, %get3A_8] : memref<1x1176x128xf32, #tpu.memory_space<vmem>>, vector<1x1176x128xf32>
    %sub3A = arith.constant 1.000000e+00 : f32
    %sub3A_10 = arith.subf %sub3A, %get3A_0 : f32
    %mul3A_11 = vector.broadcast %sub3A_10 : f32 to vector<1x1176x128xf32>
    %mul3A_12 = arith.mulf %get3A_9, %mul3A_11 : vector<1x1176x128xf32>
    %add3A = arith.addf %mul3A_5, %mul3A_12 : vector<1x1176x128xf32>
    %swap3A = arith.constant 0 : index
    %swap3A_13 = arith.constant 0 : index
    %swap3A_14 = arith.constant 0 : index
    %swap3A_15 = vector.load %arg5[%swap3A, %swap3A_13, %swap3A_14] : memref<1x1176x128xf32, #tpu.memory_space<vmem>>, vector<1x1176x128xf32>
    tpu.vector_store %arg5[%swap3A, %swap3A_13, %swap3A_14], %add3A {strides = array<i32>} : memref<1x1176x128xf32, #tpu.memory_space<vmem>>, vector<1x1176x128xf32>,
    return
  }
  func.func @transform_0(%arg0: i32, %arg1: memref<256xi32, #tpu.memory_space<smem>>, %arg2: memref<256xf32, #tpu.memory_space<smem>>) -> (i32, i32, i32) {
    %c0_i32 = arith.constant 0 : i32
    %c0_i32_0 = arith.constant 0 : i32
    %c0_i32_1 = arith.constant 0 : i32
    return %arg0, %c0_i32, %c0_i32_0 : i32, i32, i32
  }
  func.func @transform_1(%arg0: i32, %arg1: memref<256xi32, #tpu.memory_space<smem>>, %arg2: memref<256xf32, #tpu.memory_space<smem>>) -> (i32, i32, i32) {
    %get3A = arith.index_cast %arg0 : i32 to index
    %get3A_0 = memref.load %arg1[%get3A] : memref<256xi32, #tpu.memory_space<smem>>
    %c0_i32 = arith.constant 0 : i32
    %c0_i32_1 = arith.constant 0 : i32
    %c0_i32_2 = arith.constant 0 : i32
    return %get3A_0, %c0_i32, %c0_i32_1 : i32, i32, i32
  }
  func.func @transform_2(%arg0: i32, %arg1: memref<256xi32, #tpu.memory_space<smem>>, %arg2: memref<256xf32, #tpu.memory_space<smem>>) -> (i32, i32, i32) {
    %c0_i32 = arith.constant 0 : i32
    %c0_i32_0 = arith.constant 0 : i32
    %c0_i32_1 = arith.constant 0 : i32
    return %arg0, %c0_i32, %c0_i32_0 : i32, i32, i32
  }
}

</mosaic_0001>

<sc_bundles>
// kernel: kernel.4.cloned.1.call-start
scs
__scs_entry_jumppad:
0x0: {  	(pc) =	sbr.rel $0x88, $3  }
0x1: {  	(tag) =	ssettag $0x0;
	lr =	simm.s32 $0x1  }
0x2: {  	[smem:$0x3F9D] =	sst lr;
	_ =	strace $0xD0000000  }
0x3: {  	_ = 	snop  }
0x4: {  	_ = 	snop  }
0x5: {  	_ = 	snop  }
0x6: {  	_ = 	snop  }
0x7: {  	_ = 	snop  }
__scs_overlays_trampoline_lowered:
0x8: {  	[smem:$0x3FAC] =	sst s0  }
0x9: {  	[smem:$0x3FAD] =	sst s1  }
0xa: {  	[smem:$0x3FAE] =	sst s2  }
0xb: {  	[smem:$0x3FAF] =	sst s3  }
0xc: {  	[smem:$0x3FB0] =	sst s4  }
0xd: {  	[smem:$0x3FB1] =	sst s5  }
0xe: {  	[smem:$0x3FB2] =	sst s6  }
0xf: {  	[smem:$0x3FB3] =	sst s7  }
0x10: {  	[smem:$0x3FB4] =	sst s8  }
0x11: {  	[smem:$0x3FB5] =	sst s9;
	s0 =	simm.s32 @!p0 $0x0  }
0x12: {  	s1 =	sld [smem:$0x3F9B];
	s0 =	simm.s32 @p0 $0x1  }
0x13: {  	[smem:$0x3FB6] =	sst s0;
	s0 =	simm.s32 @!p1 $0x0  }
0x14: {  	s2 =	sld [smem:$0x3F9A];
	s0 =	simm.s32 @p1 $0x1  }
0x15: {  	[smem:$0x3FB7] =	sst s0;
	s0 =	simm.s32 @!p2 $0x0  }
0x16: {  	s3 =	sld [smem:$0x3FDB];
	s0 =	simm.s32 @p2 $0x1  }
0x17: {  	s4 =	simm.s32 $0x1BF5;
	[smem:$0x3FB9] =	sst s0  }
0x18: {  	s0 =	sld [smem:$0x3F9C];
	_ =	swait.ge [sflag:s4], $0x0  }
0x19: {  	s7 =	sld [smem:$0x3F9D]  }
0x1a: {  	s8 =	sadd.s32 $0xFFFFE003, lr  }
0x1b: {  	s9 =	sadd.s32 $0xFFFFFEF7, lr;
	s5 =	simm.s32 $0xFFFFFFFF;
	p2 =	slt.u32 s8, $0xFFFFF086  }
0x1c: {  	p1 =	slt.u32 s9, $0xF7A;
	s5 =	simm.s32 @!p2 $0x0  }
0x1d: {  	s5 =	simm.s32 @p1 $0x1;
	p0 =	seq.s32 s7, s2  }
0x1e: {  	s7 =	smul.u32 @!p0 $0xF7A, s2;
	p2 =	seq.s32 @!p0 s5, $0x0  }
0x1f: {  	s9 =	smul.u32 $0xF7A, s1;
	s8 =	simm.s32 @!p0 $0x1BF5;
	p2 =	por !p2, p0  }
0x20: {  	[sflag:s8] =	ssyncset.s32 @!p0 $0xFFFFF086;
	s6 =	sadd.s32 @!p0 s3, s7;
	s7 =	simm.s32 @!p0 $0x108  }
0x21: {  	s3 =	sadd.s32 s3, s9;
	s6 =	sadd.s32 @!p0 $0x88, s6;
	s7 =	simm.s32 @p2 $0x1082  }
0x22: {  	[simem:s7], [sflag:s8] =	dma.local @!p0 [hbm:s6], $0xF7A  }
0x23: {  	s9 =	sor.u32 $0xD0000000, s2;
	s6 =	simm.s32 $0x108;
	_ =	swait.ge @!p0 [sflag:s8], $0x0  }
0x24: {  	s3 =	sadd.s32 $0x88, s3;
	s6 =	simm.s32 @!p1 $0x1082;
	[sflag:s4] =	ssyncset.s32 $0xFFFFF086  }
0x25: {  	[simem:s6], [sflag:s4] =	dma.local [hbm:s3], $0xF7A  }
0x26: {  	[smem:$0x3F9D] =	sst s1;
	(tag) =	ssettag s2;
	_ =	strace s9  }
0x27: {  	s1 =	sld [smem:$0x3FAD]  }
0x28: {  	s2 =	sld [smem:$0x3FAE]  }
0x29: {  	s4 =	sld [smem:$0x3FB0]  }
0x2a: {  	p0 =	seq.s32 s5, $0x0;
	s5 =	sld [smem:$0x3FB1]  }
0x2b: {  	s6 =	sld [smem:$0x3FB2]  }
0x2c: {  	s7 =	sld [smem:$0x3FB3]  }
0x2d: {  	s3 =	simm.s32 $0x108;
	s8 =	sld [smem:$0x3FB4]  }
0x2e: {  	s3 =	simm.s32 @!p0 $0x1082;
	s9 =	sld [smem:$0x3FB5]  }
0x2f: {  	lr =	sadd.s32 s0, s3;
	s0 =	sld [smem:$0x3FAC]  }
0x30: {  	s3 =	sld [smem:$0x3FAF]  }
0x31: {  	[smem:$0x3FB8] =	sst s10  }
0x32: {  	s10 =	sld [smem:$0x3FB6];
	_ =	sdelay $0x3  }
0x33: {  	p0 =	seq.s32 s10, $0x1;
	s10 =	sld [smem:$0x3FB8];
	_ =	sdelay $0x3  }
0x34: {  	[smem:$0x3FB8] =	sst s10  }
0x35: {  	s10 =	sld [smem:$0x3FB7];
	_ =	sdelay $0x3  }
0x36: {  	p1 =	seq.s32 s10, $0x1;
	s10 =	sld [smem:$0x3FB8];
	_ =	sdelay $0x3  }
0x37: {  	[smem:$0x3FB8] =	sst s10  }
0x38: {  	s10 =	sld [smem:$0x3FB9]  }
0x39: {  	_ = 	snop;
	(pc) =	sbr.ind lr, $3  }
0x3a: {  	_ = 	snop  }
0x3b: {  	_ = 	snop  }
0x3c: {  	p2 =	seq.s32 s10, $0x1;
	s10 =	sld [smem:$0x3FB8]  }
0x3d: {  	_ =	shalt  }
0x3e: {  	_ =	shalt  }
0x3f: {  	_ =	shalt  }
0x40: {  	_ =	shalt  }
0x41: {  	_ =	shalt  }
0x42: {  	_ =	shalt  }
0x43: {  	_ =	shalt  }
0x44: {  	_ =	shalt  }
0x45: {  	_ =	shalt  }
0x46: {  	_ =	shalt  }
0x47: {  	_ =	shalt  }
0x48: {  	_ =	shalt  }
0x49: {  	_ =	shalt  }
0x4a: {  	_ =	shalt  }
0x4b: {  	_ =	shalt  }
0x4c: {  	_ =	shalt  }
0x4d: {  	_ =	shalt  }
0x4e: {  	_ =	shalt  }
0x4f: {  	_ =	shalt  }
0x50: {  	_ =	shalt  }
0x51: {  	_ =	shalt  }
0x52: {  	_ =	shalt  }
0x53: {  	_ =	shalt  }
0x54: {  	_ =	shalt  }
0x55: {  	_ =	shalt  }
0x56: {  	_ =	shalt  }
0x57: {  	_ =	shalt  }
0x58: {  	_ =	shalt  }
0x59: {  	_ =	shalt  }
0x5a: {  	_ =	shalt  }
0x5b: {  	_ =	shalt  }
0x5c: {  	_ =	shalt  }
0x5d: {  	_ =	shalt  }
0x5e: {  	_ =	shalt  }
0x5f: {  	_ =	shalt  }
0x60: {  	_ =	shalt  }
0x61: {  	_ =	shalt  }
0x62: {  	_ =	shalt  }
0x63: {  	_ =	shalt  }
0x64: {  	_ =	shalt  }
0x65: {  	_ =	shalt  }
0x66: {  	_ =	shalt  }
0x67: {  	_ =	shalt  }
0x68: {  	_ =	shalt  }
0x69: {  	_ =	shalt  }
0x6a: {  	_ =	shalt  }
0x6b: {  	_ =	shalt  }
0x6c: {  	_ =	shalt  }
0x6d: {  	_ =	shalt  }
0x6e: {  	_ =	shalt  }
0x6f: {  	_ =	shalt  }
0x70: {  	_ =	shalt  }
0x71: {  	_ =	shalt  }
0x72: {  	_ =	shalt  }
0x73: {  	_ =	shalt  }
0x74: {  	_ =	shalt  }
0x75: {  	_ =	shalt  }
0x76: {  	_ =	shalt  }
0x77: {  	_ =	shalt  }
0x78: {  	_ =	shalt  }
0x79: {  	_ =	shalt  }
0x7a: {  	_ =	shalt  }
0x7b: {  	_ =	shalt  }
0x7c: {  	_ =	shalt  }
0x7d: {  	_ =	shalt  }
0x7e: {  	_ =	shalt  }
0x7f: {  	_ =	shalt  }
0x80: {  	_ =	shalt  }
0x81: {  	_ =	shalt  }
0x82: {  	_ =	shalt  }
0x83: {  	_ =	shalt  }
0x84: {  	_ =	shalt  }
0x85: {  	_ =	shalt  }
0x86: {  	_ =	shalt  }
0x87: {  	_ =	shalt  }
.Lfunc_end0:
.L_simem_size_0:
called_computation_lowered:
.L_overlay_start_0:
0x88: {  	s2 =	sld [smem:$0x3FD9]  }
0x89: {  	s3 =	sld [smem:$0x3FFE];
	_ =	sdelay $0x1  }
0x8a: {  	s1 =	srdreg.scid  }
0x8b: {  	s0 =	sand.u32 $0x1, s1  }
0x8c: {  	s17 =	sshll.u32 s0, $0xA;
	s2 =	sadd.s32 s3, s2  }
0x8d: {  	s2 =	sadd.s32 s2, s17  }
0x8e: {  	[smem:$0x3FC4] =	sst s2  }
0x8f: {  	_ = 	snop  }
0x90: {  	s2 =	sld [smem:$0x3FC8]  }
0x91: {  	s18 =	sld [smem:$0x3FC7]  }
0x92: {  	s4 =	sld [smem:$0x3FC6];
	(tm) =	ssettm $0x1  }
0x93: {  	s5 =	sld [smem:$0x3FFB];
	_ =	sdelay $0x3  }
0x94: {  	_ =	strace s5  }
0x95: {  	s5 =	sld [smem:$0x3FFC];
	_ =	sdelay $0x3  }
0x96: {  	_ =	strace s5  }
0x97: {  	s5 =	sld [smem:$0x3FFD];
	_ =	sdelay $0x3  }
0x98: {  	_ =	strace s5  }
0x99: {  	_ =	strace $0x8FFFFFFF  }
0x9a: {  	s19 =	sld [smem:$0x3FDB];
	_ =	sdelay $0x1  }
0x9b: {  	s6 =	simm.s32 $_scs_section_size  }
0x9c: {  	s7 =	simm.s32 $_size__tile_overlayer_lowered;
	s8 =	simm.s32 $_tile_overlayer_lowered  }
0x9d: {  	s22 =	simm.s32 $0x1BFF;
	s21 =	sshll.u32 s8, $0x1;
	s5 =	sadd.s32 s6, s19  }
0x9e: {  	s9 =	simm.s32 $0x0;
	s20 =	sshll.u32 s7, $0x1;
	s7 =	sadd.s32 s21, s5  }
0x9f: {  	[timem:s9], [sflag:s22] =	dma.local [hbm:s7], s20  }
0xa0: {  	_ =	swait.ge [sflag:s22], s20  }
0xa1: {  	s6 =	ssub.s32 $0x0, s20;
	[sflag:s22] =	ssyncset.done $0x0  }
0xa2: {  	[sflag:s22] =	ssyncadd.s32 s6;
	_ =	sdelay $0x1  }
0xa3: {  	s23 =	simm.s32 $0x1B8B  }
0xa4: {  	_ =	swait.ge [sflag:s23], $0x1  }
0xa5: {  	[sflag:s23] =	ssyncset.done $0x0  }
0xa6: {  	s25 =	simm.s32 $0x1B8E;
	s24 =	sld [smem:$0x3FFE];
	[sflag:s23] =	ssyncadd.s32 $0xFFFFFFFF  }
0xa7: {  	s26 =	simm.s32 $execute0_lowered;
	[smem:$0x3FD2] =	sst s25  }
0xa8: {  	s7 =	sshll.u32 s26, $0x1;
	_ =	strace $0x80000046;
	[dreg:$0x1] =	wrdreg $0xFFFFFFFF  }
0xa9: {  	s28 =	simm.s32 $_size_execute0_lowered;
	s5 =	sadd.s32 s5, s7;
	[dreg:$0x0] =	wrdreg $0x0  }
0xaa: {  	s7 =	sshll.u32 s28, $0x1;
	[dreg:$0x2] =	wrdreg s5  }
0xab: {  	[dreg:$0x3] =	wrdreg s7  }
0xac: {  	[dreg:$0x4] =	wrdreg $0xC0  }
0xad: {  	_ =	task [dreg:s9], $0x5FFFF  }
0xae: {  	[dreg:$0x1] =	wrdreg $0xFFFFFFFF  }
0xaf: {  	[dreg:$0x0] =	wrdreg $0x60  }
0xb0: {  	[dreg:$0x2] =	wrdreg s2  }
0xb1: {  	[dreg:$0x3] =	wrdreg s18  }
0xb2: {  	[dreg:$0x4] =	wrdreg s4  }
0xb3: {  	[dreg:$0x5] =	wrdreg s24  }
0xb4: {  	[dreg:$0x6] =	wrdreg $0x9  }
0xb5: {  	_ =	task.clear_ibuf [dreg:s9], $0x7FFFF;
	_ =	strace $0x90000046  }
0xb6: {  	s29 =	simm.s32 $0x9;
	_ =	strace $0x80000048  }
0xb7: {  	_ =	swait.ge [sflag:s29], $0x1  }
0xb8: {  	[sflag:s29] =	ssyncadd.s32 $0xFFFFFFFF  }
0xb9: {  	_ =	strace $0x90000048  }
0xba: {  	_ =	sfence  }
0xbb: {  	s30 =	sld [smem:$0x0];
	_ =	sdelay $0x2  }
0xbc: {  	s31 =	sshll.u32 s1, $0xD;
	s1 =	sshrl.u32 s1, $0x2  }
0xbd: {  	s3 =	sand.u32 $0x4000, s31;
	s1 =	sadd.s32 s1, s30  }
0xbe: {  	s0 =	sor.u32 s3, s0;
	s1 =	sshll.u32 s1, $0x11  }
0xbf: {  	s0 =	sor.u32 s1, s0  }
0xc0: {  	s0 =	sadd.s32 $0x8F2B, s0  }
0xc1: {  	[sflag:s0] =	ssyncadd.remote.s32 $0x1  }
0xc2: {  	_ =	sfence.sel $0xFFFF  }
0xc3: {  	[dreg:$0x0] =	wrdreg $0xFFFFFFFF;
	(pc) =	sbr.abs _section_cstart, $3  }
0xc4: {  	[dreg:$0x1] =	wrdreg $0xFFFFFFFF  }
0xc5: {  	_ =	task.clear_ibuf [dreg:s9], $0x2FFFF;
	_ =	strace $0x9FFFFFFF  }
0xc6: {  	(tm) =	ssettm $0x7FFFFFFF  }
0xc7: {  	_ =	shalt  }
tec
execute0_lowered:
.L_overlay_start_1:
0x0: {  	(tag) =	ssettag $0x1  }
0x1: {  	s1 =	srdreg.scid  }
0x2: {  	s1 =	sand.u32 $0x1, s1  }
0x3: {  	s4 =	rddreg [dreg:$0x0];
	p0 =	seq.s32 s1, $0x1  }
.Ltmp0:
0x4: {  	s6 =	rddreg [dreg:$0x1];
	(pc) =	sbr.rel @p0 .LBB2_4-.Ltmp0, $4  }
0x5: {  	s5 =	rddreg [dreg:$0x2]  }
0x6: {  	s2 =	rddreg [dreg:$0x3];
	s3 =	simm.s32 $0x0  }
0x7: {  	[smem:$0x7FF] =	sst s3  }
0x8: {  	s0 =	rddreg [dreg:$0x4];
	_ =	strace $0x80000047;
	s1 =	stileid.u32  }
0x9: {  	s7 =	sshll.u32 s1, $0x1  }
0xa: {  	s8 =	simm.s32 $0x4000;
	s23 =	simm.s32 $0x1;
	s6 =	sadd.s32 s6, s7  }
0xb: {  	[tilespmem:s8], [sflag:$0x1] =	stream.linear.gather [hbm4b:s6+s3], $0x10, $0x38;
	[tilespmem:$0x4280] =	vst v63  }
0xc: {  	_ =	swait.ge [sflag:s23], $0x10  }
0xd: {  	[sflag:s23] =	ssyncset.done $0x0  }
0xe: {  	s24 =	simm.s32 $0x4080;
	s5 =	sadd.s32 s5, s7;
	[sflag:s23] =	ssyncadd.s32 $0xFFFFFFF0  }
0xf: {  	[tilespmem:s24], [sflag:$0x1] =	stream.linear.gather [hbm4b:s5+s3], $0x10, $0x38;
	[tilespmem:$0x4280] =	vst v63  }
0x10: {  	_ =	swait.ge [sflag:s23], $0x10  }
0x11: {  	[sflag:s23] =	ssyncset.done $0x0  }
0x12: {  	s25 =	simm.s32 $0x4100;
	[sflag:s23] =	ssyncadd.s32 $0xFFFFFFF0  }
0x13: {  	[tilespmem:s25], [sflag:$0x1] =	stream.linear.gather [hbm4b:s4+s3], $0x100, $0x38;
	[tilespmem:$0x4280] =	vst v63  }
0x14: {  	_ =	swait.ge [sflag:s23], $0x100  }
0x15: {  	[sflag:s23] =	ssyncset.done $0x0  }
0x16: {  	s28 =	simm.s32 $0x4200;
	s26 =	sadd.s32 s4, s7;
	[sflag:s23] =	ssyncadd.s32 $0xFFFFFF00  }
0x17: {  	[tilespmem:s28], [sflag:$0x1] =	stream.linear.gather [hbm4b:s26+s3], $0x10, $0x38;
	[tilespmem:$0x4280] =	vst v63  }
0x18: {  	_ =	swait.ge [sflag:s23], $0x10  }
0x19: {  	[sflag:s23] =	ssyncset.done $0x0  }
0x1a: {  	[sflag:s23] =	ssyncadd.s32 $0xFFFFFFF0  }
0x1b: {  	v1 =	vld [tilespmem:$0x4080];
	_ =	sdelay $0x5  }
0x1c: {  	s29 =	sand.u32 $0x70, s3;
	s30 =	sand.u32 $0x1C00, s3;
	v0 =	vld [tilespmem:$0x4000]  }
0x1d: {  	v3 =	vimm.f32 $0.0e+00;
	s4 =	sor.u32 s29, s30;
	v2 =	vld [tilespmem:$0x4200]  }
0x1e: {  	v1 =	vld.idx.msk [tilespmem:v1+s25+$0x0], $0xffff;
	[tilespmem:s4+$0x80] =	vst v3  }
0x1f: {  	[tilespmem:s4+$0x100] =	vst v3  }
0x20: {  	[tilespmem:s4+$0x180] =	vst v3  }
0x21: {  	s31 =	sshll.u32 s1, $0xB;
	[tilespmem:s4+$0x200] =	vst v3  }
0x22: {  	s2 =	sadd.s32 s31, s2;
	[tilespmem:s4+$0x280] =	vst v3  }
0x23: {  	s2 =	sadd.s32 $0x800, s2;
	s6 =	sor.u32 s3, s3;
	s5 =	simm.s32 $0x10;
	[tilespmem:s4+$0x300] =	vst v3  }
.LBB2_2:
0x24: {  	p0 =	sne.s32 s5, $0x3D0;
	[tilespmem:s4+$0x0] =	vst v3;
	s6 =	sor.u32 $0x380, s6  }
0x25: {  	[tilespmem:s6+$0x0] =	vst v3  }
0x26: {  	[tilespmem:s4+$0x2000] =	vst v3  }
0x27: {  	[tilespmem:s4+$0x2080] =	vst v3  }
0x28: {  	[tilespmem:s4+$0x2100] =	vst v3  }
0x29: {  	[tilespmem:s4+$0x2180] =	vst v3  }
0x2a: {  	[tilespmem:s4+$0x2200] =	vst v3  }
0x2b: {  	s3 =	sadd.s32 $0x80, s3;
	[tilespmem:s4+$0x2280] =	vst v3  }
0x2c: {  	s6 =	sand.u32 $0x70, s5;
	s7 =	sand.u32 $0x1C00, s3;
	[tilespmem:s4+$0x2300] =	vst v3  }
0x2d: {  	[tilespmem:s4+$0x2380] =	vst v3;
	s4 =	sor.u32 s6, s7  }
0x2e: {  	[tilespmem:s4+$0x80] =	vst v3  }
.Ltmp1:
0x2f: {  	[tilespmem:s4+$0x100] =	vst v3;
	(pc) =	sbr.rel @p0 .LBB2_2-.Ltmp1, $4  }
0x30: {  	[tilespmem:s4+$0x180] =	vst v3  }
0x31: {  	[tilespmem:s4+$0x200] =	vst v3  }
0x32: {  	[tilespmem:s4+$0x280] =	vst v3  }
0x33: {  	s6 =	sor.u32 s3, s5;
	s5 =	sadd.s32 $0x10, s5;
	[tilespmem:s4+$0x300] =	vst v3  }
0x34: {  	[tilespmem:s4+$0x0] =	vst v3;
	s3 =	sor.u32 $0x380, s6  }
0x35: {  	[tilespmem:s3+$0x0] =	vst v3  }
0x36: {  	[tilespmem:s4+$0x2000] =	vst v3  }
0x37: {  	[tilespmem:s4+$0x2080] =	vst v3  }
0x38: {  	[tilespmem:s4+$0x2100] =	vst v3  }
0x39: {  	v4 =	vimm.s32 $0x2380;
	vm0 =	vcmask $0x300;
	[tilespmem:s4+$0x2180] =	vst v3  }
0x3a: {  	vm14 =	vcmask $0x704;
	v4 =	vsel vm0, $0x0, v4;
	[tilespmem:s4+$0x2200] =	vst v3  }
0x3b: {  	vm15 =	vcmask $0xB08;
	[tilespmem:s4+$0x2280] =	vst v3;
	v4 =	vsel vm14, $0x80, v4  }
0x3c: {  	vm4 =	vcmask $0xF0C;
	[tilespmem:s4+$0x2300] =	vst v3;
	v4 =	vsel vm15, $0x100, v4  }
0x3d: {  	v59 =	vimm.f32 $0.0e+00;
	vm5 =	vcmask $0x1310;
	[tilespmem:s4+$0x2380] =	vst v3;
	v4 =	vsel vm4, $0x180, v4  }
0x3e: {  	vm6 =	vcmask $0x1714;
	[tilespmem:$0x1C58] =	vst v59;
	v4 =	vsel vm5, $0x200, v4  }
0x3f: {  	vm7 =	vcmask $0x1B18;
	[tilespmem:$0x1CD8] =	vst v59;
	v4 =	vsel vm6, $0x280, v4  }
0x40: {  	vm8 =	vcmask $0x1F1C;
	[tilespmem:$0x1D58] =	vst v59;
	v4 =	vsel vm7, $0x300, v4  }
0x41: {  	vm9 =	vcmask $0x2320;
	[tilespmem:$0x1DD8] =	vst v59;
	v4 =	vsel vm8, $0x380, v4  }
0x42: {  	vm10 =	vcmask $0x2724;
	[tilespmem:$0x1E58] =	vst v59;
	v4 =	vsel vm9, $0x2000, v4  }
0x43: {  	v5 =	vand.u32 $0x7F, v2;
	vm11 =	vcmask $0x2B28;
	[tilespmem:$0x1ED8] =	vst v59;
	v4 =	vsel vm10, $0x2080, v4  }
0x44: {  	v60 =	vshll.u32 v2, $0x3;
	vm12 =	vcmask $0x2F2C;
	[tilespmem:$0x1F58] =	vst v59;
	v4 =	vsel vm11, $0x2100, v4  }
0x45: {  	vm13 =	vcmask $0x3330;
	v61 =	vshll.u32 v1, $0x3;
	[tilespmem:$0x1FD8] =	vst v59;
	v4 =	vsel vm12, $0x2180, v4  }
0x46: {  	v62 =	vand.u32 $0x7F, v1;
	vm14 =	vcmask $0x3734;
	[tilespmem:$0x3C58] =	vst v59;
	v4 =	vsel vm13, $0x2200, v4  }
0x47: {  	v2 =	vand.u32 $0xFFFFFC00, v60;
	[tilespmem:$0x3CD8] =	vst v59;
	vm15 =	vcmask $0x3B38;
	v4 =	vsel vm14, $0x2280, v4  }
0x48: {  	v2 =	vor.u32 v5, v2;
	v5 =	vand.u32 $0xFFFFFC00, v61;
	[tilespmem:$0x3D58] =	vst v59;
	v4 =	vsel vm15, $0x2300, v4  }
0x49: {  	v1 =	vor.u32 v62, v5;
	[tilespmem:$0x3DD8] =	vst v59;
	v2 =	vadd.s32 v4, v2  }
0x4a: {  	[tilespmem:$0x3E58] =	vst v59;
	v1 =	vadd.s32 v4, v1  }
0x4b: {  	[tilespmem:$0x3ED8] =	vst v59  }
0x4c: {  	[tilespmem:$0x3F58] =	vst v59  }
0x4d: {  	s30 =	simm.s32 $0x0;
	v63 =	vsub.f32 $1.000000000e+00, v0;
	[tilespmem:$0x3FD8] =	vst v59  }
0x4e: {  	[tilespmem:v2+s30+$0x0] =	vst.idx.msk $0xffff, v0  }
0x4f: {  	s31 =	simm.s32 $0x1;
	[tilespmem:v1+s30+$0x0] =	vst.idx.add.f32.msk $0xffff, v63  }
0x50: {  	[hbm4b:s2+s30] =	stream.linear.scatter [tilespmem:s30], [sflag:$0x1], $0x4000, $0x38;
	[tilespmem:$0x4280] =	vst v63  }
0x51: {  	_ =	swait.ge [sflag:s31], $0x4000  }
0x52: {  	[sflag:s31] =	ssyncset.done $0x0  }
0x53: {  	[sflag:s31] =	ssyncadd.s32 $0xFFFFC000  }
.LBB2_4:
0x54: {  	_ =	sfence.sel $0x180000  }
0x55: {  	[bflag:$0x0] =	sbarrier.arrive $0xFFFF  }
0x56: {  	p0 =	sne.s32 s1, $0x0;
	_ =	strace $0x90000047  }
0x57: {  	s0 =	sadd.s32 @!p0 $0x100000, s0;
	[bflag:$0x2] =	sbarrier.arrive $0xFFFF  }
0x58: {  	[sflag:s0] =	ssyncadd.tile.s32 @!p0 $0x1;
	_ =	shalt  }
.Lfunc_end2:
_tile_overlayer_lowered:
.L_overlay_start_2:
0x59: {  	(tag) =	ssettag $0x2  }
0x5a: {  	s0 =	rddreg [dreg:$0x0];
	s2 =	stileid.u32  }
0x5b: {  	s1 =	rddreg [dreg:$0x1];
	p0 =	sne.s32 s2, $0x0  }
0x5c: {  	s3 =	rddreg [dreg:$0x2];
	[bflag:$0x3] =	sbarrier.arrive $0xFFFF;
	s2 =	simm.s32 @!p0 $0x1C01  }
0x5d: {  	[timem:s3], [sflag:s2] =	dma.local @!p0 [hbm:s0], s1  }
0x5e: {  	s0 =	simm.s32 @!p0 $0x1  }
0x5f: {  	_ =	swait.ge @!p0 [sflag:s0], s1  }
0x60: {  	s1 =	ssub.s32 @!p0 $0x0, s1;
	[sflag:s0] =	ssyncset.done @!p0 $0x0  }
0x61: {  	[sflag:s0] =	ssyncadd.s32 @!p0 s1  }
0x62: {  	[bflag:$0x3] =	sbarrier.arrive $0xFFFF  }
0x63: {  	_ =	shalt  }

</sc_bundles>
